<compile_context>
chip_gen: v7x
topology: tpu7x:2x2x1
jax: 0.10.2.dev20260603
libtpu: 0.0.44.dev20260713+nightly
codegen_flags: <defaults>
</compile_context>

<pallas_src>
import jax
import jax.numpy as jnp
from jax import lax
from jax.experimental import pallas as pl
from jax.experimental.pallas import tpu as pltpu
from jax.experimental.pallas import tpu_sc as plsc

N = 100000
H = 128
S = 512
NC = 2
NS = 16
NW = NC * NS
CHUNK = 112
NCH = 13
BASE = NCH * CHUNK
M_SC = NW * BASE
N_TC = N - M_SC
BM = 13352
NB = N_TC // BM
ROWS_PER_TILE = S // NS
TCC = 1664
TCX = N_TC - NW * TCC


def _pool_body(h_hbm, b_hbm, b3_hbm, z128_hbm, z512_hbm, part_out, cnt_out,
               acc_sh, rows0_v, rows1_v, idx2_v, cnt_v, tci_v, tcx_v,
               sem0, sem1):
    c = lax.axis_index("c")
    s = lax.axis_index("s")
    wid = c * NS + s
    base = N_TC + wid * BASE

    pltpu.sync_copy(z128_hbm.at[pl.ds(s * ROWS_PER_TILE, ROWS_PER_TILE)],
                    acc_sh.at[pl.ds(s * ROWS_PER_TILE, ROWS_PER_TILE)])
    pltpu.sync_copy(z512_hbm, cnt_v)
    pltpu.sync_copy(b3_hbm.at[wid], idx2_v)
    pltpu.sync_copy(b_hbm.at[pl.ds(wid * TCC, TCC)], tci_v)

    @pl.when(wid == NW - 1)
    def _stage_leftover():
        pltpu.sync_copy(b_hbm.at[pl.ds(NW * TCC, TCX)], tcx_v)

    plsc.subcore_barrier()

    ones16 = jnp.full((16,), 1.0, jnp.float32)

    def _off(i):
        return base + i * CHUNK

    def _counts(i):
        for k in range(CHUNK // 16):
            plsc.addupdate_scatter(cnt_v, [idx2_v[i, pl.ds(16 * k, 16)]],
                                   ones16)

    pltpu.async_copy(h_hbm.at[pl.ds(base, CHUNK)], rows0_v, sem0)

    def _pair(j, _):
        i0 = 2 * j
        i1 = 2 * j + 1
        pltpu.async_copy(h_hbm.at[pl.ds(_off(i1), CHUNK)], rows1_v, sem1)
        pltpu.make_async_copy(h_hbm.at[pl.ds(_off(i0), CHUNK)], rows0_v,
                              sem0).wait()
        pltpu.sync_copy(rows0_v, acc_sh.at[idx2_v.at[i0]], add=True)
        _counts(i0)
        off2 = jnp.minimum(_off(i0 + 2), N - CHUNK)
        pltpu.async_copy(h_hbm.at[pl.ds(off2, CHUNK)], rows0_v, sem0)
        pltpu.make_async_copy(h_hbm.at[pl.ds(_off(i1), CHUNK)], rows1_v,
                              sem1).wait()
        pltpu.sync_copy(rows1_v, acc_sh.at[idx2_v.at[i1]], add=True)
        _counts(i1)
        return _

    lax.fori_loop(0, NCH // 2, _pair, 0)

    pltpu.make_async_copy(h_hbm.at[pl.ds(_off(NCH - 1), CHUNK)], rows0_v,
                          sem0).wait()
    pltpu.sync_copy(rows0_v, acc_sh.at[idx2_v.at[NCH - 1]], add=True)
    _counts(NCH - 1)

    def _tccount(g, _):
        plsc.addupdate_scatter(cnt_v, [tci_v[pl.ds(16 * g, 16)]], ones16)
        return _

    lax.fori_loop(0, TCC // 16, _tccount, 0)

    @pl.when(wid == NW - 1)
    def _count_leftover():
        for g in range(TCX // 16):
            plsc.addupdate_scatter(cnt_v, [tcx_v[pl.ds(16 * g, 16)]], ones16)

    plsc.subcore_barrier()

    r0 = s * ROWS_PER_TILE
    pltpu.sync_copy(acc_sh.at[pl.ds(r0, ROWS_PER_TILE)],
                    part_out.at[c, pl.ds(r0, ROWS_PER_TILE)])
    pltpu.sync_copy(cnt_v, cnt_out.at[c, s])


@jax.jit
def _sc_pool(h, b32, b3d, z128, z512):
    mesh = plsc.VectorSubcoreMesh(core_axis_name="c", subcore_axis_name="s")
    f = pl.kernel(
        _pool_body,
        out_type=(
            jax.ShapeDtypeStruct((NC, S, H), jnp.float32),
            jax.ShapeDtypeStruct((NC, NS, S), jnp.float32),
        ),
        mesh=mesh,
        compiler_params=pltpu.CompilerParams(needs_layout_passes=False),
        scratch_types=[
            pltpu.VMEM_SHARED((S, H), jnp.float32),
            pltpu.VMEM((CHUNK, H), jnp.float32),
            pltpu.VMEM((CHUNK, H), jnp.float32),
            pltpu.VMEM((NCH, CHUNK), jnp.int32),
            pltpu.VMEM((S,), jnp.float32),
            pltpu.VMEM((TCC,), jnp.int32),
            pltpu.VMEM((TCX,), jnp.int32),
            pltpu.SemaphoreType.DMA,
            pltpu.SemaphoreType.DMA,
        ],
    )
    return f(h, b32, b3d, z128, z512)


def _tc_body(ids_ref, h_ref, p_ref):
    i = pl.program_id(0)
    seg = lax.broadcasted_iota(jnp.int32, (S, BM), 0)
    onehot = (ids_ref[0] == seg).astype(jnp.bfloat16)
    hb = h_ref[...].astype(jnp.bfloat16)
    ps = jnp.dot(onehot, hb, preferred_element_type=jnp.float32)

    @pl.when(i == 0)
    def _():
        p_ref[...] = jnp.zeros_like(p_ref)

    p_ref[...] += ps


@jax.jit
def _tc_pool(ids_tc, h):
    return pl.pallas_call(
        _tc_body,
        grid=(NB,),
        in_specs=[
            pl.BlockSpec((1, 1, BM), lambda i: (i, 0, 0)),
            pl.BlockSpec((BM, H), lambda i: (i, 0)),
        ],
        out_specs=pl.BlockSpec((S, H), lambda i: (0, 0)),
        out_shape=jax.ShapeDtypeStruct((S, H), jnp.float32),
    )(ids_tc, h)


def _combine_body(p_ref, c_ref, ptc_ref, o_ref):
    p = p_ref[0] + p_ref[1] + ptc_ref[...]
    cnt = jnp.sum(c_ref[...], axis=(0, 1)).reshape(S, 1)
    cnt = jnp.maximum(cnt, 1.0)
    o_ref[...] = p / cnt


@jax.jit
def _combine(part, cnt, ptc):
    return pl.pallas_call(
        _combine_body,
        out_shape=jax.ShapeDtypeStruct((S, H), jnp.float32),
    )(part, cnt, ptc)


def kernel(h, batch):
    b32 = batch.astype(jnp.int32)
    b3d = b32[N_TC:].reshape(NW, NCH, CHUNK)
    ids_tc = b32[:N_TC].reshape(NB, 1, BM)
    z128 = jnp.zeros((S, H), jnp.float32)
    z512 = jnp.zeros((S,), jnp.float32)
    part, cnt = _sc_pool(h, b32, b3d, z128, z512)
    ptc = _tc_pool(ids_tc, h)
    return _combine(part, cnt, ptc)

# --- scband reference (transcript-rebuilt; emitter-appended) ---
"""Pipeline reference for scband-e3-pooling-41317585387562 (READ-ONLY COPY).

The authoritative reference and input builder live on the scoring server;
editing this copy changes nothing except your own understanding.
"""

import jax, jax.numpy as jnp
import numpy as np

NUM_NODES = 100000
HIDDEN = 128
NUM_GRAPHS = 512


def setup_inputs(seed: int = 0) -> dict:
    key = jax.random.key(seed)
    k1, k2 = jax.random.split(key)
    h = jax.random.normal(k1, (NUM_NODES, HIDDEN), dtype=jnp.float32)
    batch = jnp.sort(jax.random.randint(k2, (NUM_NODES,), 0, NUM_GRAPHS)).astype(jnp.int64)
    return {"h": h, "batch": batch}


def reference(h, batch):
    # E3Pooling with model_type='egnn_t0' skips the E_GCL backbone and only
    # applies global_mean_pool(h, batch): a segment-mean over node features.
    sums = jax.ops.segment_sum(h, batch, num_segments=NUM_GRAPHS)
    counts = jax.ops.segment_sum(jnp.ones((h.shape[0],), dtype=h.dtype), batch, num_segments=NUM_GRAPHS)
    counts = jnp.maximum(counts, 1.0)
    p = sums / counts[:, None]
    return p

if __name__ == "__main__":
    import jax
    _d = setup_inputs()
    print(jax.jit(kernel)(*tuple(_d.values())))

</pallas_src>

<mosaic_0001>
#map = affine_map<(d0, d1) -> (0, 0)>
#map1 = affine_map<(d0, d1) -> (0)>
#map2 = affine_map<(d0, d1) -> (0, 0, 0)>
module attributes {stable_mosaic.version = 14 : i64} {
  func.func @_pool_body(%arg0: i32, %arg1: i32, %arg2: memref<100000x128xf32, #tpu.memory_space<hbm>>, %arg3: memref<100000xi32, #tpu.memory_space<hbm>>, %arg4: memref<32x13x112xi32, #tpu.memory_space<hbm>>, %arg5: memref<512x128xf32, #tpu.memory_space<hbm>>, %arg6: memref<512xf32, #tpu.memory_space<hbm>>, %arg7: memref<2x512x128xf32, #tpu.memory_space<hbm>>, %arg8: memref<2x16x512xf32, #tpu.memory_space<hbm>>, %arg9: memref<512x128xf32, #tpu.memory_space<vmem_shared>>, %arg10: memref<112x128xf32, #tpu.memory_space<vmem>>, %arg11: memref<112x128xf32, #tpu.memory_space<vmem>>, %arg12: memref<13x112xi32, #tpu.memory_space<vmem>>, %arg13: memref<512xf32, #tpu.memory_space<vmem>>, %arg14: memref<1664xi32, #tpu.memory_space<vmem>>, %arg15: memref<160xi32, #tpu.memory_space<vmem>>, %arg16: memref<!tpu.dma_semaphore, #tpu.memory_space<semaphore_mem>>, %arg17: memref<!tpu.dma_semaphore, #tpu.memory_space<semaphore_mem>>) attributes {dimension_semantics = [#tpu.dimension_semantics<core_parallel>, #tpu.dimension_semantics<subcore_parallel>], iteration_bounds = array<i64: 2, 16>, scalar_prefetch = 0 : i64, scratch_operands = 9 : i64, tpu.core_type = #tpu.core_type<sc_vector_subcore>, window_params = [{transform_indices = #map}, {transform_indices = #map1}, {transform_indices = #map2}, {transform_indices = #map}, {transform_indices = #map1}, {transform_indices = #map2}, {transform_indices = #map2}]} {
    %mul3A = arith.constant 16 : i32
    %mul3A_0 = arith.muli %arg0, %mul3A : i32
    %add3A = arith.addi %mul3A_0, %arg1 : i32
    %mul3A_1 = arith.constant 1456 : i32
    %mul3A_2 = arith.muli %add3A, %mul3A_1 : i32
    %add3A_3 = arith.constant 53408 : i32
    %add3A_4 = arith.addi %add3A_3, %mul3A_2 : i32
    %mul3A_5 = arith.constant 32 : i32
    %mul3A_6 = arith.muli %arg1, %mul3A_5 : i32
    %mul3A_7 = arith.constant 32 : i32
    %mul3A_8 = arith.muli %arg1, %mul3A_7 : i32
    "tpu.region"() ({
      %run_scoped3A_68 = tpu.sem_alloc : memref<!tpu.dma_semaphore, #tpu.memory_space<semaphore_mem>>
      %dma_start3A_69 = arith.constant 0 : i32
      %dma_start3A_70 = tpu.memref_slice %arg9[%mul3A_8, %dma_start3A_69] : memref<512x128xf32, #tpu.memory_space<vmem_shared>> -> memref<32x128xf32, #tpu.memory_space<vmem_shared>>
      %dma_start3A_71 = arith.constant 0 : i32
      %dma_start3A_72 = tpu.memref_slice %arg5[%mul3A_6, %dma_start3A_71] : memref<512x128xf32, #tpu.memory_space<hbm>> -> memref<32x128xf32, #tpu.memory_space<hbm>>
      tpu.enqueue_dma source(%dma_start3A_72 : memref<32x128xf32, #tpu.memory_space<hbm>>) target(%dma_start3A_70 : memref<32x128xf32, #tpu.memory_space<vmem_shared>>) target_semaphore(%run_scoped3A_68 : memref<!tpu.dma_semaphore, #tpu.memory_space<semaphore_mem>>)
      %dma_wait3A_73 = arith.constant 0 : i32
      %dma_wait3A_74 = tpu.memref_slice %arg9[%mul3A_8, %dma_wait3A_73] : memref<512x128xf32, #tpu.memory_space<vmem_shared>> -> memref<32x128xf32, #tpu.memory_space<vmem_shared>>
      %dma_wait3A_75 = arith.constant 0 : i32
      %dma_wait3A_76 = tpu.memref_slice %arg5[%mul3A_6, %dma_wait3A_75] : memref<512x128xf32, #tpu.memory_space<hbm>> -> memref<32x128xf32, #tpu.memory_space<hbm>>
      tpu.wait_dma2 semaphore(%run_scoped3A_68 : memref<!tpu.dma_semaphore, #tpu.memory_space<semaphore_mem>>) src(%dma_wait3A_76 : memref<32x128xf32, #tpu.memory_space<hbm>>) dst(%dma_wait3A_74 : memref<32x128xf32, #tpu.memory_space<vmem_shared>>)
      tpu.yield
    }) : () -> ()
    "tpu.region"() ({
      %run_scoped3A_68 = tpu.sem_alloc : memref<!tpu.dma_semaphore, #tpu.memory_space<semaphore_mem>>
      tpu.enqueue_dma source(%arg6 : memref<512xf32, #tpu.memory_space<hbm>>) target(%arg13 : memref<512xf32, #tpu.memory_space<vmem>>) target_semaphore(%run_scoped3A_68 : memref<!tpu.dma_semaphore, #tpu.memory_space<semaphore_mem>>)
      tpu.wait_dma2 semaphore(%run_scoped3A_68 : memref<!tpu.dma_semaphore, #tpu.memory_space<semaphore_mem>>) src(%arg6 : memref<512xf32, #tpu.memory_space<hbm>>) dst(%arg13 : memref<512xf32, #tpu.memory_space<vmem>>)
      tpu.yield
    }) : () -> ()
    "tpu.region"() ({
      %run_scoped3A_68 = tpu.sem_alloc : memref<!tpu.dma_semaphore, #tpu.memory_space<semaphore_mem>>
      %dma_start3A_69 = arith.constant 0 : i32
      %dma_start3A_70 = arith.constant 0 : i32
      %dma_start3A_71 = tpu.memref_slice %arg4[%add3A, %dma_start3A_69, %dma_start3A_70] : memref<32x13x112xi32, #tpu.memory_space<hbm>> -> memref<1x13x112xi32, #tpu.memory_space<hbm>>
      %dma_start3A_72 = tpu.memref_squeeze %dma_start3A_71 : memref<1x13x112xi32, #tpu.memory_space<hbm>> -> memref<13x112xi32, #tpu.memory_space<hbm>>
      %dma_start3A_73 = arith.constant 0 : i32
      %dma_start3A_74 = arith.constant 0 : i32
      %dma_start3A_75 = tpu.memref_slice %arg4[%add3A, %dma_start3A_73, %dma_start3A_74] : memref<32x13x112xi32, #tpu.memory_space<hbm>> -> memref<1x13x112xi32, #tpu.memory_space<hbm>>
      %dma_start3A_76 = tpu.memref_squeeze %dma_start3A_75 : memref<1x13x112xi32, #tpu.memory_space<hbm>> -> memref<13x112xi32, #tpu.memory_space<hbm>>
      tpu.enqueue_dma source(%dma_start3A_76 : memref<13x112xi32, #tpu.memory_space<hbm>>) target(%arg12 : memref<13x112xi32, #tpu.memory_space<vmem>>) target_semaphore(%run_scoped3A_68 : memref<!tpu.dma_semaphore, #tpu.memory_space<semaphore_mem>>)
      %dma_wait3A_77 = arith.constant 0 : i32
      %dma_wait3A_78 = arith.constant 0 : i32
      %dma_wait3A_79 = tpu.memref_slice %arg4[%add3A, %dma_wait3A_77, %dma_wait3A_78] : memref<32x13x112xi32, #tpu.memory_space<hbm>> -> memref<1x13x112xi32, #tpu.memory_space<hbm>>
      %dma_wait3A_80 = tpu.memref_squeeze %dma_wait3A_79 : memref<1x13x112xi32, #tpu.memory_space<hbm>> -> memref<13x112xi32, #tpu.memory_space<hbm>>
      %dma_wait3A_81 = arith.constant 0 : i32
      %dma_wait3A_82 = arith.constant 0 : i32
      %dma_wait3A_83 = tpu.memref_slice %arg4[%add3A, %dma_wait3A_81, %dma_wait3A_82] : memref<32x13x112xi32, #tpu.memory_space<hbm>> -> memref<1x13x112xi32, #tpu.memory_space<hbm>>
      %dma_wait3A_84 = tpu.memref_squeeze %dma_wait3A_83 : memref<1x13x112xi32, #tpu.memory_space<hbm>> -> memref<13x112xi32, #tpu.memory_space<hbm>>
      tpu.wait_dma2 semaphore(%run_scoped3A_68 : memref<!tpu.dma_semaphore, #tpu.memory_space<semaphore_mem>>) src(%dma_wait3A_84 : memref<13x112xi32, #tpu.memory_space<hbm>>) dst(%arg12 : memref<13x112xi32, #tpu.memory_space<vmem>>)
      tpu.yield
    }) : () -> ()
    %mul3A_9 = arith.constant 1664 : i32
    %mul3A_10 = arith.muli %add3A, %mul3A_9 : i32
    "tpu.region"() ({
      %run_scoped3A_68 = tpu.sem_alloc : memref<!tpu.dma_semaphore, #tpu.memory_space<semaphore_mem>>
      %dma_start3A_69 = tpu.memref_slice %arg3[%mul3A_10] : memref<100000xi32, #tpu.memory_space<hbm>> -> memref<1664xi32, #tpu.memory_space<hbm>>
      %dma_start3A_70 = tpu.memref_slice %arg3[%mul3A_10] : memref<100000xi32, #tpu.memory_space<hbm>> -> memref<1664xi32, #tpu.memory_space<hbm>>
      tpu.enqueue_dma source(%dma_start3A_70 : memref<1664xi32, #tpu.memory_space<hbm>>) target(%arg14 : memref<1664xi32, #tpu.memory_space<vmem>>) target_semaphore(%run_scoped3A_68 : memref<!tpu.dma_semaphore, #tpu.memory_space<semaphore_mem>>)
      %dma_wait3A_71 = tpu.memref_slice %arg3[%mul3A_10] : memref<100000xi32, #tpu.memory_space<hbm>> -> memref<1664xi32, #tpu.memory_space<hbm>>
      %dma_wait3A_72 = tpu.memref_slice %arg3[%mul3A_10] : memref<100000xi32, #tpu.memory_space<hbm>> -> memref<1664xi32, #tpu.memory_space<hbm>>
      tpu.wait_dma2 semaphore(%run_scoped3A_68 : memref<!tpu.dma_semaphore, #tpu.memory_space<semaphore_mem>>) src(%dma_wait3A_72 : memref<1664xi32, #tpu.memory_space<hbm>>) dst(%arg14 : memref<1664xi32, #tpu.memory_space<vmem>>)
      tpu.yield
    }) : () -> ()
    %eq3A = arith.constant 31 : i32
    %eq3A_11 = arith.cmpi eq, %add3A, %eq3A : i32
    %convert_element_type3A = arith.extui %eq3A_11 : i1 to i32
    %cond3A = arith.constant 0 : i32
    %cond3A_12 = arith.cmpi ne, %convert_element_type3A, %cond3A : i32
    scf.if %cond3A_12 {
      "tpu.region"() ({
        %run_scoped3A_68 = tpu.sem_alloc : memref<!tpu.dma_semaphore, #tpu.memory_space<semaphore_mem>>
        %dma_start3A_69 = arith.constant 53248 : i32
        %dma_start3A_70 = tpu.memref_slice %arg3[%dma_start3A_69] : memref<100000xi32, #tpu.memory_space<hbm>> -> memref<160xi32, #tpu.memory_space<hbm>>
        %dma_start3A_71 = arith.constant 53248 : i32
        %dma_start3A_72 = tpu.memref_slice %arg3[%dma_start3A_71] : memref<100000xi32, #tpu.memory_space<hbm>> -> memref<160xi32, #tpu.memory_space<hbm>>
        tpu.enqueue_dma source(%dma_start3A_72 : memref<160xi32, #tpu.memory_space<hbm>>) target(%arg15 : memref<160xi32, #tpu.memory_space<vmem>>) target_semaphore(%run_scoped3A_68 : memref<!tpu.dma_semaphore, #tpu.memory_space<semaphore_mem>>)
        %dma_wait3A_73 = arith.constant 53248 : i32
        %dma_wait3A_74 = tpu.memref_slice %arg3[%dma_wait3A_73] : memref<100000xi32, #tpu.memory_space<hbm>> -> memref<160xi32, #tpu.memory_space<hbm>>
        %dma_wait3A_75 = arith.constant 53248 : i32
        %dma_wait3A_76 = tpu.memref_slice %arg3[%dma_wait3A_75] : memref<100000xi32, #tpu.memory_space<hbm>> -> memref<160xi32, #tpu.memory_space<hbm>>
        tpu.wait_dma2 semaphore(%run_scoped3A_68 : memref<!tpu.dma_semaphore, #tpu.memory_space<semaphore_mem>>) src(%dma_wait3A_76 : memref<160xi32, #tpu.memory_space<hbm>>) dst(%arg15 : memref<160xi32, #tpu.memory_space<vmem>>)
        tpu.yield
      }) : () -> ()
    } else {
    }
    %barrier3A = arith.constant 0 : index
    tpu.barrier barrier_id(%barrier3A)
    %broadcast_in_dim3A = arith.constant 1.000000e+00 : f32
    %broadcast_in_dim3A_13 = vector.broadcast %broadcast_in_dim3A : f32 to vector<16xf32>
    %dma_start3A = arith.constant 0 : i32
    %dma_start3A_14 = tpu.memref_slice %arg2[%add3A_4, %dma_start3A] : memref<100000x128xf32, #tpu.memory_space<hbm>> -> memref<112x128xf32, #tpu.memory_space<hbm>>
    %dma_start3A_15 = arith.constant 0 : i32
    %dma_start3A_16 = tpu.memref_slice %arg2[%add3A_4, %dma_start3A_15] : memref<100000x128xf32, #tpu.memory_space<hbm>> -> memref<112x128xf32, #tpu.memory_space<hbm>>
    tpu.enqueue_dma source(%dma_start3A_16 : memref<112x128xf32, #tpu.memory_space<hbm>>) target(%arg10 : memref<112x128xf32, #tpu.memory_space<vmem>>) target_semaphore(%arg16 : memref<!tpu.dma_semaphore, #tpu.memory_space<semaphore_mem>>)
    %scan3A = arith.constant 0 : i32
    %scan3A_17 = arith.constant 0 : i32
    %scan3A_18 = arith.constant 6 : i32
    %scan3A_19 = arith.addi %scan3A_17, %scan3A_18 : i32
    %scan3A_20 = arith.constant 1 : i32
    scf.for %scan3A_68 = %scan3A_17 to %scan3A_19 step %scan3A_20  : i32 {
      %mul3A_69 = arith.constant 2 : i32
      %mul3A_70 = arith.muli %mul3A_69, %scan3A_68 : i32
      %mul3A_71 = arith.constant 2 : i32
      %mul3A_72 = arith.muli %mul3A_71, %scan3A_68 : i32
      %add3A_73 = arith.constant 1 : i32
      %add3A_74 = arith.addi %mul3A_72, %add3A_73 : i32
      %mul3A_75 = arith.constant 112 : i32
      %mul3A_76 = arith.muli %add3A_74, %mul3A_75 : i32
      %add3A_77 = arith.addi %add3A_4, %mul3A_76 : i32
      %dma_start3A_78 = arith.constant 0 : i32
      %dma_start3A_79 = tpu.memref_slice %arg2[%add3A_77, %dma_start3A_78] : memref<100000x128xf32, #tpu.memory_space<hbm>> -> memref<112x128xf32, #tpu.memory_space<hbm>>
      %dma_start3A_80 = arith.constant 0 : i32
      %dma_start3A_81 = tpu.memref_slice %arg2[%add3A_77, %dma_start3A_80] : memref<100000x128xf32, #tpu.memory_space<hbm>> -> memref<112x128xf32, #tpu.memory_space<hbm>>
      tpu.enqueue_dma source(%dma_start3A_81 : memref<112x128xf32, #tpu.memory_space<hbm>>) target(%arg11 : memref<112x128xf32, #tpu.memory_space<vmem>>) target_semaphore(%arg17 : memref<!tpu.dma_semaphore, #tpu.memory_space<semaphore_mem>>)
      %mul3A_82 = arith.constant 112 : i32
      %mul3A_83 = arith.muli %mul3A_70, %mul3A_82 : i32
      %add3A_84 = arith.addi %add3A_4, %mul3A_83 : i32
      %dma_wait3A_85 = arith.constant 0 : i32
      %dma_wait3A_86 = tpu.memref_slice %arg2[%add3A_84, %dma_wait3A_85] : memref<100000x128xf32, #tpu.memory_space<hbm>> -> memref<112x128xf32, #tpu.memory_space<hbm>>
      %dma_wait3A_87 = arith.constant 0 : i32
      %dma_wait3A_88 = tpu.memref_slice %arg2[%add3A_84, %dma_wait3A_87] : memref<100000x128xf32, #tpu.memory_space<hbm>> -> memref<112x128xf32, #tpu.memory_space<hbm>>
      tpu.wait_dma2 semaphore(%arg16 : memref<!tpu.dma_semaphore, #tpu.memory_space<semaphore_mem>>) src(%dma_wait3A_88 : memref<112x128xf32, #tpu.memory_space<hbm>>) dst(%arg10 : memref<112x128xf32, #tpu.memory_space<vmem>>)
      "tpu.region"() ({
        %run_scoped3A_148 = tpu.sem_alloc : memref<!tpu.dma_semaphore, #tpu.memory_space<semaphore_mem>>
        %dma_start3A_149 = arith.constant 0 : i32
        %dma_start3A_150 = tpu.memref_slice %arg12[%mul3A_70, %dma_start3A_149] : memref<13x112xi32, #tpu.memory_space<vmem>> -> memref<1x112xi32, #tpu.memory_space<vmem>>
        %dma_start3A_151 = tpu.memref_squeeze %dma_start3A_150 : memref<1x112xi32, #tpu.memory_space<vmem>> -> memref<112xi32, #tpu.memory_space<vmem>>
        %dma_start3A_152 = arith.constant 0 : i32
        %dma_start3A_153 = arith.constant 0 : i32
        %dma_start3A_154 = tpu.memref_slice %arg9[%dma_start3A_152, %dma_start3A_153] : memref<512x128xf32, #tpu.memory_space<vmem_shared>> -> memref<512x128xf32, #tpu.memory_space<vmem_shared>>
        tpu.enqueue_indirect_dma source(%arg10 : memref<112x128xf32, #tpu.memory_space<vmem>>) target(%dma_start3A_154 : memref<512x128xf32, #tpu.memory_space<vmem_shared>>) offsets(%dma_start3A_151 : memref<112xi32, #tpu.memory_space<vmem>>) semaphore(%run_scoped3A_148 : memref<!tpu.dma_semaphore, #tpu.memory_space<semaphore_mem>>) {add = true}
        %dma_wait3A_155 = arith.constant 0 : i32
        %dma_wait3A_156 = tpu.memref_slice %arg12[%mul3A_70, %dma_wait3A_155] : memref<13x112xi32, #tpu.memory_space<vmem>> -> memref<1x112xi32, #tpu.memory_space<vmem>>
        %dma_wait3A_157 = tpu.memref_squeeze %dma_wait3A_156 : memref<1x112xi32, #tpu.memory_space<vmem>> -> memref<112xi32, #tpu.memory_space<vmem>>
        %dma_wait3A_158 = arith.constant 0 : i32
        %dma_wait3A_159 = arith.constant 0 : i32
        %dma_wait3A_160 = tpu.memref_slice %arg9[%dma_wait3A_158, %dma_wait3A_159] : memref<512x128xf32, #tpu.memory_space<vmem_shared>> -> memref<512x128xf32, #tpu.memory_space<vmem_shared>>
        tpu.wait_indirect_dma semaphore(%run_scoped3A_148 : memref<!tpu.dma_semaphore, #tpu.memory_space<semaphore_mem>>) src(%arg10 : memref<112x128xf32, #tpu.memory_space<vmem>>) dst(%dma_wait3A_160 : memref<512x128xf32, #tpu.memory_space<vmem_shared>>)
        tpu.yield
      }) : () -> ()
      %get3A_89 = arith.index_cast %mul3A_70 : i32 to index
      %get3A_90 = arith.constant 0 : index
      %get3A_91 = tpu.vector_load %arg12[%get3A_89, %get3A_90] {strides = array<i32>} : memref<13x112xi32, #tpu.memory_space<vmem>>, vector<16xi32>,
      tpu.vector_store_idx %arg13[%get3A_91], %broadcast_in_dim3A_13 {add = true} : memref<512xf32, #tpu.memory_space<vmem>>[vector<16xi32>], vector<16xf32>,
      %get3A_92 = arith.index_cast %mul3A_70 : i32 to index
      %get3A_93 = arith.constant 16 : index
      %get3A_94 = tpu.vector_load %arg12[%get3A_92, %get3A_93] {strides = array<i32>} : memref<13x112xi32, #tpu.memory_space<vmem>>, vector<16xi32>,
      tpu.vector_store_idx %arg13[%get3A_94], %broadcast_in_dim3A_13 {add = true} : memref<512xf32, #tpu.memory_space<vmem>>[vector<16xi32>], vector<16xf32>,
      %get3A_95 = arith.index_cast %mul3A_70 : i32 to index
      %get3A_96 = arith.constant 32 : index
      %get3A_97 = tpu.vector_load %arg12[%get3A_95, %get3A_96] {strides = array<i32>} : memref<13x112xi32, #tpu.memory_space<vmem>>, vector<16xi32>,
      tpu.vector_store_idx %arg13[%get3A_97], %broadcast_in_dim3A_13 {add = true} : memref<512xf32, #tpu.memory_space<vmem>>[vector<16xi32>], vector<16xf32>,
      %get3A_98 = arith.index_cast %mul3A_70 : i32 to index
      %get3A_99 = arith.constant 48 : index
      %get3A_100 = tpu.vector_load %arg12[%get3A_98, %get3A_99] {strides = array<i32>} : memref<13x112xi32, #tpu.memory_space<vmem>>, vector<16xi32>,
      tpu.vector_store_idx %arg13[%get3A_100], %broadcast_in_dim3A_13 {add = true} : memref<512xf32, #tpu.memory_space<vmem>>[vector<16xi32>], vector<16xf32>,
      %get3A_101 = arith.index_cast %mul3A_70 : i32 to index
      %get3A_102 = arith.constant 64 : index
      %get3A_103 = tpu.vector_load %arg12[%get3A_101, %get3A_102] {strides = array<i32>} : memref<13x112xi32, #tpu.memory_space<vmem>>, vector<16xi32>,
      tpu.vector_store_idx %arg13[%get3A_103], %broadcast_in_dim3A_13 {add = true} : memref<512xf32, #tpu.memory_space<vmem>>[vector<16xi32>], vector<16xf32>,
      %get3A_104 = arith.index_cast %mul3A_70 : i32 to index
      %get3A_105 = arith.constant 80 : index
      %get3A_106 = tpu.vector_load %arg12[%get3A_104, %get3A_105] {strides = array<i32>} : memref<13x112xi32, #tpu.memory_space<vmem>>, vector<16xi32>,
      tpu.vector_store_idx %arg13[%get3A_106], %broadcast_in_dim3A_13 {add = true} : memref<512xf32, #tpu.memory_space<vmem>>[vector<16xi32>], vector<16xf32>,
      %get3A_107 = arith.index_cast %mul3A_70 : i32 to index
      %get3A_108 = arith.constant 96 : index
      %get3A_109 = tpu.vector_load %arg12[%get3A_107, %get3A_108] {strides = array<i32>} : memref<13x112xi32, #tpu.memory_space<vmem>>, vector<16xi32>,
      tpu.vector_store_idx %arg13[%get3A_109], %broadcast_in_dim3A_13 {add = true} : memref<512xf32, #tpu.memory_space<vmem>>[vector<16xi32>], vector<16xf32>,
      %add3A_110 = arith.constant 2 : i32
      %add3A_111 = arith.addi %mul3A_70, %add3A_110 : i32
      %mul3A_112 = arith.constant 112 : i32
      %mul3A_113 = arith.muli %add3A_111, %mul3A_112 : i32
      %add3A_114 = arith.addi %add3A_4, %mul3A_113 : i32
      %min3A = arith.constant 99888 : i32
      %min3A_115 = arith.minsi %add3A_114, %min3A : i32
      %dma_start3A_116 = arith.constant 0 : i32
      %dma_start3A_117 = tpu.memref_slice %arg2[%min3A_115, %dma_start3A_116] : memref<100000x128xf32, #tpu.memory_space<hbm>> -> memref<112x128xf32, #tpu.memory_space<hbm>>
      %dma_start3A_118 = arith.constant 0 : i32
      %dma_start3A_119 = tpu.memref_slice %arg2[%min3A_115, %dma_start3A_118] : memref<100000x128xf32, #tpu.memory_space<hbm>> -> memref<112x128xf32, #tpu.memory_space<hbm>>
      tpu.enqueue_dma source(%dma_start3A_119 : memref<112x128xf32, #tpu.memory_space<hbm>>) target(%arg10 : memref<112x128xf32, #tpu.memory_space<vmem>>) target_semaphore(%arg16 : memref<!tpu.dma_semaphore, #tpu.memory_space<semaphore_mem>>)
      %mul3A_120 = arith.constant 112 : i32
      %mul3A_121 = arith.muli %add3A_74, %mul3A_120 : i32
      %add3A_122 = arith.addi %add3A_4, %mul3A_121 : i32
      %dma_wait3A_123 = arith.constant 0 : i32
      %dma_wait3A_124 = tpu.memref_slice %arg2[%add3A_122, %dma_wait3A_123] : memref<100000x128xf32, #tpu.memory_space<hbm>> -> memref<112x128xf32, #tpu.memory_space<hbm>>
      %dma_wait3A_125 = arith.constant 0 : i32
      %dma_wait3A_126 = tpu.memref_slice %arg2[%add3A_122, %dma_wait3A_125] : memref<100000x128xf32, #tpu.memory_space<hbm>> -> memref<112x128xf32, #tpu.memory_space<hbm>>
      tpu.wait_dma2 semaphore(%arg17 : memref<!tpu.dma_semaphore, #tpu.memory_space<semaphore_mem>>) src(%dma_wait3A_126 : memref<112x128xf32, #tpu.memory_space<hbm>>) dst(%arg11 : memref<112x128xf32, #tpu.memory_space<vmem>>)
      "tpu.region"() ({
        %run_scoped3A_148 = tpu.sem_alloc : memref<!tpu.dma_semaphore, #tpu.memory_space<semaphore_mem>>
        %dma_start3A_149 = arith.constant 0 : i32
        %dma_start3A_150 = tpu.memref_slice %arg12[%add3A_74, %dma_start3A_149] : memref<13x112xi32, #tpu.memory_space<vmem>> -> memref<1x112xi32, #tpu.memory_space<vmem>>
        %dma_start3A_151 = tpu.memref_squeeze %dma_start3A_150 : memref<1x112xi32, #tpu.memory_space<vmem>> -> memref<112xi32, #tpu.memory_space<vmem>>
        %dma_start3A_152 = arith.constant 0 : i32
        %dma_start3A_153 = arith.constant 0 : i32
        %dma_start3A_154 = tpu.memref_slice %arg9[%dma_start3A_152, %dma_start3A_153] : memref<512x128xf32, #tpu.memory_space<vmem_shared>> -> memref<512x128xf32, #tpu.memory_space<vmem_shared>>
        tpu.enqueue_indirect_dma source(%arg11 : memref<112x128xf32, #tpu.memory_space<vmem>>) target(%dma_start3A_154 : memref<512x128xf32, #tpu.memory_space<vmem_shared>>) offsets(%dma_start3A_151 : memref<112xi32, #tpu.memory_space<vmem>>) semaphore(%run_scoped3A_148 : memref<!tpu.dma_semaphore, #tpu.memory_space<semaphore_mem>>) {add = true}
        %dma_wait3A_155 = arith.constant 0 : i32
        %dma_wait3A_156 = tpu.memref_slice %arg12[%add3A_74, %dma_wait3A_155] : memref<13x112xi32, #tpu.memory_space<vmem>> -> memref<1x112xi32, #tpu.memory_space<vmem>>
        %dma_wait3A_157 = tpu.memref_squeeze %dma_wait3A_156 : memref<1x112xi32, #tpu.memory_space<vmem>> -> memref<112xi32, #tpu.memory_space<vmem>>
        %dma_wait3A_158 = arith.constant 0 : i32
        %dma_wait3A_159 = arith.constant 0 : i32
        %dma_wait3A_160 = tpu.memref_slice %arg9[%dma_wait3A_158, %dma_wait3A_159] : memref<512x128xf32, #tpu.memory_space<vmem_shared>> -> memref<512x128xf32, #tpu.memory_space<vmem_shared>>
        tpu.wait_indirect_dma semaphore(%run_scoped3A_148 : memref<!tpu.dma_semaphore, #tpu.memory_space<semaphore_mem>>) src(%arg11 : memref<112x128xf32, #tpu.memory_space<vmem>>) dst(%dma_wait3A_160 : memref<512x128xf32, #tpu.memory_space<vmem_shared>>)
        tpu.yield
      }) : () -> ()
      %get3A_127 = arith.index_cast %add3A_74 : i32 to index
      %get3A_128 = arith.constant 0 : index
      %get3A_129 = tpu.vector_load %arg12[%get3A_127, %get3A_128] {strides = array<i32>} : memref<13x112xi32, #tpu.memory_space<vmem>>, vector<16xi32>,
      tpu.vector_store_idx %arg13[%get3A_129], %broadcast_in_dim3A_13 {add = true} : memref<512xf32, #tpu.memory_space<vmem>>[vector<16xi32>], vector<16xf32>,
      %get3A_130 = arith.index_cast %add3A_74 : i32 to index
      %get3A_131 = arith.constant 16 : index
      %get3A_132 = tpu.vector_load %arg12[%get3A_130, %get3A_131] {strides = array<i32>} : memref<13x112xi32, #tpu.memory_space<vmem>>, vector<16xi32>,
      tpu.vector_store_idx %arg13[%get3A_132], %broadcast_in_dim3A_13 {add = true} : memref<512xf32, #tpu.memory_space<vmem>>[vector<16xi32>], vector<16xf32>,
      %get3A_133 = arith.index_cast %add3A_74 : i32 to index
      %get3A_134 = arith.constant 32 : index
      %get3A_135 = tpu.vector_load %arg12[%get3A_133, %get3A_134] {strides = array<i32>} : memref<13x112xi32, #tpu.memory_space<vmem>>, vector<16xi32>,
      tpu.vector_store_idx %arg13[%get3A_135], %broadcast_in_dim3A_13 {add = true} : memref<512xf32, #tpu.memory_space<vmem>>[vector<16xi32>], vector<16xf32>,
      %get3A_136 = arith.index_cast %add3A_74 : i32 to index
      %get3A_137 = arith.constant 48 : index
      %get3A_138 = tpu.vector_load %arg12[%get3A_136, %get3A_137] {strides = array<i32>} : memref<13x112xi32, #tpu.memory_space<vmem>>, vector<16xi32>,
      tpu.vector_store_idx %arg13[%get3A_138], %broadcast_in_dim3A_13 {add = true} : memref<512xf32, #tpu.memory_space<vmem>>[vector<16xi32>], vector<16xf32>,
      %get3A_139 = arith.index_cast %add3A_74 : i32 to index
      %get3A_140 = arith.constant 64 : index
      %get3A_141 = tpu.vector_load %arg12[%get3A_139, %get3A_140] {strides = array<i32>} : memref<13x112xi32, #tpu.memory_space<vmem>>, vector<16xi32>,
      tpu.vector_store_idx %arg13[%get3A_141], %broadcast_in_dim3A_13 {add = true} : memref<512xf32, #tpu.memory_space<vmem>>[vector<16xi32>], vector<16xf32>,
      %get3A_142 = arith.index_cast %add3A_74 : i32 to index
      %get3A_143 = arith.constant 80 : index
      %get3A_144 = tpu.vector_load %arg12[%get3A_142, %get3A_143] {strides = array<i32>} : memref<13x112xi32, #tpu.memory_space<vmem>>, vector<16xi32>,
      tpu.vector_store_idx %arg13[%get3A_144], %broadcast_in_dim3A_13 {add = true} : memref<512xf32, #tpu.memory_space<vmem>>[vector<16xi32>], vector<16xf32>,
      %get3A_145 = arith.index_cast %add3A_74 : i32 to index
      %get3A_146 = arith.constant 96 : index
      %get3A_147 = tpu.vector_load %arg12[%get3A_145, %get3A_146] {strides = array<i32>} : memref<13x112xi32, #tpu.memory_space<vmem>>, vector<16xi32>,
      tpu.vector_store_idx %arg13[%get3A_147], %broadcast_in_dim3A_13 {add = true} : memref<512xf32, #tpu.memory_space<vmem>>[vector<16xi32>], vector<16xf32>,
    }
    %scan3A_21 = arith.constant 6 : i32
    %add3A_22 = arith.constant 1344 : i32
    %add3A_23 = arith.addi %add3A_4, %add3A_22 : i32
    %dma_wait3A = arith.constant 0 : i32
    %dma_wait3A_24 = tpu.memref_slice %arg2[%add3A_23, %dma_wait3A] : memref<100000x128xf32, #tpu.memory_space<hbm>> -> memref<112x128xf32, #tpu.memory_space<hbm>>
    %dma_wait3A_25 = arith.constant 0 : i32
    %dma_wait3A_26 = tpu.memref_slice %arg2[%add3A_23, %dma_wait3A_25] : memref<100000x128xf32, #tpu.memory_space<hbm>> -> memref<112x128xf32, #tpu.memory_space<hbm>>
    tpu.wait_dma2 semaphore(%arg16 : memref<!tpu.dma_semaphore, #tpu.memory_space<semaphore_mem>>) src(%dma_wait3A_26 : memref<112x128xf32, #tpu.memory_space<hbm>>) dst(%arg10 : memref<112x128xf32, #tpu.memory_space<vmem>>)
    %run_scoped3A = arith.constant 12 : i32
    "tpu.region"() ({
      %run_scoped3A_68 = tpu.sem_alloc : memref<!tpu.dma_semaphore, #tpu.memory_space<semaphore_mem>>
      %dma_start3A_69 = arith.constant 0 : i32
      %dma_start3A_70 = tpu.memref_slice %arg12[%run_scoped3A, %dma_start3A_69] : memref<13x112xi32, #tpu.memory_space<vmem>> -> memref<1x112xi32, #tpu.memory_space<vmem>>
      %dma_start3A_71 = tpu.memref_squeeze %dma_start3A_70 : memref<1x112xi32, #tpu.memory_space<vmem>> -> memref<112xi32, #tpu.memory_space<vmem>>
      %dma_start3A_72 = arith.constant 0 : i32
      %dma_start3A_73 = arith.constant 0 : i32
      %dma_start3A_74 = tpu.memref_slice %arg9[%dma_start3A_72, %dma_start3A_73] : memref<512x128xf32, #tpu.memory_space<vmem_shared>> -> memref<512x128xf32, #tpu.memory_space<vmem_shared>>
      tpu.enqueue_indirect_dma source(%arg10 : memref<112x128xf32, #tpu.memory_space<vmem>>) target(%dma_start3A_74 : memref<512x128xf32, #tpu.memory_space<vmem_shared>>) offsets(%dma_start3A_71 : memref<112xi32, #tpu.memory_space<vmem>>) semaphore(%run_scoped3A_68 : memref<!tpu.dma_semaphore, #tpu.memory_space<semaphore_mem>>) {add = true}
      %dma_wait3A_75 = arith.constant 0 : i32
      %dma_wait3A_76 = tpu.memref_slice %arg12[%run_scoped3A, %dma_wait3A_75] : memref<13x112xi32, #tpu.memory_space<vmem>> -> memref<1x112xi32, #tpu.memory_space<vmem>>
      %dma_wait3A_77 = tpu.memref_squeeze %dma_wait3A_76 : memref<1x112xi32, #tpu.memory_space<vmem>> -> memref<112xi32, #tpu.memory_space<vmem>>
      %dma_wait3A_78 = arith.constant 0 : i32
      %dma_wait3A_79 = arith.constant 0 : i32
      %dma_wait3A_80 = tpu.memref_slice %arg9[%dma_wait3A_78, %dma_wait3A_79] : memref<512x128xf32, #tpu.memory_space<vmem_shared>> -> memref<512x128xf32, #tpu.memory_space<vmem_shared>>
      tpu.wait_indirect_dma semaphore(%run_scoped3A_68 : memref<!tpu.dma_semaphore, #tpu.memory_space<semaphore_mem>>) src(%arg10 : memref<112x128xf32, #tpu.memory_space<vmem>>) dst(%dma_wait3A_80 : memref<512x128xf32, #tpu.memory_space<vmem_shared>>)
      tpu.yield
    }) : () -> ()
    %get3A = arith.constant 12 : i32
    %get3A_27 = arith.index_cast %get3A : i32 to index
    %get3A_28 = arith.constant 0 : index
    %get3A_29 = tpu.vector_load %arg12[%get3A_27, %get3A_28] {strides = array<i32>} : memref<13x112xi32, #tpu.memory_space<vmem>>, vector<16xi32>,
    tpu.vector_store_idx %arg13[%get3A_29], %broadcast_in_dim3A_13 {add = true} : memref<512xf32, #tpu.memory_space<vmem>>[vector<16xi32>], vector<16xf32>,
    %get3A_30 = arith.constant 12 : i32
    %get3A_31 = arith.index_cast %get3A_30 : i32 to index
    %get3A_32 = arith.constant 16 : index
    %get3A_33 = tpu.vector_load %arg12[%get3A_31, %get3A_32] {strides = array<i32>} : memref<13x112xi32, #tpu.memory_space<vmem>>, vector<16xi32>,
    tpu.vector_store_idx %arg13[%get3A_33], %broadcast_in_dim3A_13 {add = true} : memref<512xf32, #tpu.memory_space<vmem>>[vector<16xi32>], vector<16xf32>,
    %get3A_34 = arith.constant 12 : i32
    %get3A_35 = arith.index_cast %get3A_34 : i32 to index
    %get3A_36 = arith.constant 32 : index
    %get3A_37 = tpu.vector_load %arg12[%get3A_35, %get3A_36] {strides = array<i32>} : memref<13x112xi32, #tpu.memory_space<vmem>>, vector<16xi32>,
    tpu.vector_store_idx %arg13[%get3A_37], %broadcast_in_dim3A_13 {add = true} : memref<512xf32, #tpu.memory_space<vmem>>[vector<16xi32>], vector<16xf32>,
    %get3A_38 = arith.constant 12 : i32
    %get3A_39 = arith.index_cast %get3A_38 : i32 to index
    %get3A_40 = arith.constant 48 : index
    %get3A_41 = tpu.vector_load %arg12[%get3A_39, %get3A_40] {strides = array<i32>} : memref<13x112xi32, #tpu.memory_space<vmem>>, vector<16xi32>,
    tpu.vector_store_idx %arg13[%get3A_41], %broadcast_in_dim3A_13 {add = true} : memref<512xf32, #tpu.memory_space<vmem>>[vector<16xi32>], vector<16xf32>,
    %get3A_42 = arith.constant 12 : i32
    %get3A_43 = arith.index_cast %get3A_42 : i32 to index
    %get3A_44 = arith.constant 64 : index
    %get3A_45 = tpu.vector_load %arg12[%get3A_43, %get3A_44] {strides = array<i32>} : memref<13x112xi32, #tpu.memory_space<vmem>>, vector<16xi32>,
    tpu.vector_store_idx %arg13[%get3A_45], %broadcast_in_dim3A_13 {add = true} : memref<512xf32, #tpu.memory_space<vmem>>[vector<16xi32>], vector<16xf32>,
    %get3A_46 = arith.constant 12 : i32
    %get3A_47 = arith.index_cast %get3A_46 : i32 to index
    %get3A_48 = arith.constant 80 : index
    %get3A_49 = tpu.vector_load %arg12[%get3A_47, %get3A_48] {strides = array<i32>} : memref<13x112xi32, #tpu.memory_space<vmem>>, vector<16xi32>,
    tpu.vector_store_idx %arg13[%get3A_49], %broadcast_in_dim3A_13 {add = true} : memref<512xf32, #tpu.memory_space<vmem>>[vector<16xi32>], vector<16xf32>,
    %get3A_50 = arith.constant 12 : i32
    %get3A_51 = arith.index_cast %get3A_50 : i32 to index
    %get3A_52 = arith.constant 96 : index
    %get3A_53 = tpu.vector_load %arg12[%get3A_51, %get3A_52] {strides = array<i32>} : memref<13x112xi32, #tpu.memory_space<vmem>>, vector<16xi32>,
    tpu.vector_store_idx %arg13[%get3A_53], %broadcast_in_dim3A_13 {add = true} : memref<512xf32, #tpu.memory_space<vmem>>[vector<16xi32>], vector<16xf32>,
    %scan3A_54 = arith.constant 0 : i32
    %scan3A_55 = arith.constant 0 : i32
    %scan3A_56 = arith.constant 104 : i32
    %scan3A_57 = arith.addi %scan3A_55, %scan3A_56 : i32
    %scan3A_58 = arith.constant 1 : i32
    scf.for %scan3A_68 = %scan3A_55 to %scan3A_57 step %scan3A_58  : i32 {
      %mul3A_69 = arith.constant 16 : i32
      %mul3A_70 = arith.muli %mul3A_69, %scan3A_68 : i32
      %get3A_71 = arith.index_cast %mul3A_70 : i32 to index
      %get3A_72 = tpu.vector_load %arg14[%get3A_71] {strides = array<i32>} : memref<1664xi32, #tpu.memory_space<vmem>>, vector<16xi32>,
      tpu.vector_store_idx %arg13[%get3A_72], %broadcast_in_dim3A_13 {add = true} : memref<512xf32, #tpu.memory_space<vmem>>[vector<16xi32>], vector<16xf32>,
    }
    %scan3A_59 = arith.constant 104 : i32
    %eq3A_60 = arith.constant 31 : i32
    %eq3A_61 = arith.cmpi eq, %add3A, %eq3A_60 : i32
    %convert_element_type3A_62 = arith.extui %eq3A_61 : i1 to i32
    %cond3A_63 = arith.constant 0 : i32
    %cond3A_64 = arith.cmpi ne, %convert_element_type3A_62, %cond3A_63 : i32
    scf.if %cond3A_64 {
      %get3A_68 = arith.constant 0 : index
      %get3A_69 = tpu.vector_load %arg15[%get3A_68] {strides = array<i32>} : memref<160xi32, #tpu.memory_space<vmem>>, vector<16xi32>,
      tpu.vector_store_idx %arg13[%get3A_69], %broadcast_in_dim3A_13 {add = true} : memref<512xf32, #tpu.memory_space<vmem>>[vector<16xi32>], vector<16xf32>,
      %get3A_70 = arith.constant 16 : index
      %get3A_71 = tpu.vector_load %arg15[%get3A_70] {strides = array<i32>} : memref<160xi32, #tpu.memory_space<vmem>>, vector<16xi32>,
      tpu.vector_store_idx %arg13[%get3A_71], %broadcast_in_dim3A_13 {add = true} : memref<512xf32, #tpu.memory_space<vmem>>[vector<16xi32>], vector<16xf32>,
      %get3A_72 = arith.constant 32 : index
      %get3A_73 = tpu.vector_load %arg15[%get3A_72] {strides = array<i32>} : memref<160xi32, #tpu.memory_space<vmem>>, vector<16xi32>,
      tpu.vector_store_idx %arg13[%get3A_73], %broadcast_in_dim3A_13 {add = true} : memref<512xf32, #tpu.memory_space<vmem>>[vector<16xi32>], vector<16xf32>,
      %get3A_74 = arith.constant 48 : index
      %get3A_75 = tpu.vector_load %arg15[%get3A_74] {strides = array<i32>} : memref<160xi32, #tpu.memory_space<vmem>>, vector<16xi32>,
      tpu.vector_store_idx %arg13[%get3A_75], %broadcast_in_dim3A_13 {add = true} : memref<512xf32, #tpu.memory_space<vmem>>[vector<16xi32>], vector<16xf32>,
      %get3A_76 = arith.constant 64 : index
      %get3A_77 = tpu.vector_load %arg15[%get3A_76] {strides = array<i32>} : memref<160xi32, #tpu.memory_space<vmem>>, vector<16xi32>,
      tpu.vector_store_idx %arg13[%get3A_77], %broadcast_in_dim3A_13 {add = true} : memref<512xf32, #tpu.memory_space<vmem>>[vector<16xi32>], vector<16xf32>,
      %get3A_78 = arith.constant 80 : index
      %get3A_79 = tpu.vector_load %arg15[%get3A_78] {strides = array<i32>} : memref<160xi32, #tpu.memory_space<vmem>>, vector<16xi32>,
      tpu.vector_store_idx %arg13[%get3A_79], %broadcast_in_dim3A_13 {add = true} : memref<512xf32, #tpu.memory_space<vmem>>[vector<16xi32>], vector<16xf32>,
      %get3A_80 = arith.constant 96 : index
      %get3A_81 = tpu.vector_load %arg15[%get3A_80] {strides = array<i32>} : memref<160xi32, #tpu.memory_space<vmem>>, vector<16xi32>,
      tpu.vector_store_idx %arg13[%get3A_81], %broadcast_in_dim3A_13 {add = true} : memref<512xf32, #tpu.memory_space<vmem>>[vector<16xi32>], vector<16xf32>,
      %get3A_82 = arith.constant 112 : index
      %get3A_83 = tpu.vector_load %arg15[%get3A_82] {strides = array<i32>} : memref<160xi32, #tpu.memory_space<vmem>>, vector<16xi32>,
      tpu.vector_store_idx %arg13[%get3A_83], %broadcast_in_dim3A_13 {add = true} : memref<512xf32, #tpu.memory_space<vmem>>[vector<16xi32>], vector<16xf32>,
      %get3A_84 = arith.constant 128 : index
      %get3A_85 = tpu.vector_load %arg15[%get3A_84] {strides = array<i32>} : memref<160xi32, #tpu.memory_space<vmem>>, vector<16xi32>,
      tpu.vector_store_idx %arg13[%get3A_85], %broadcast_in_dim3A_13 {add = true} : memref<512xf32, #tpu.memory_space<vmem>>[vector<16xi32>], vector<16xf32>,
      %get3A_86 = arith.constant 144 : index
      %get3A_87 = tpu.vector_load %arg15[%get3A_86] {strides = array<i32>} : memref<160xi32, #tpu.memory_space<vmem>>, vector<16xi32>,
      tpu.vector_store_idx %arg13[%get3A_87], %broadcast_in_dim3A_13 {add = true} : memref<512xf32, #tpu.memory_space<vmem>>[vector<16xi32>], vector<16xf32>,
    } else {
    }
    %barrier3A_65 = arith.constant 0 : index
    tpu.barrier barrier_id(%barrier3A_65)
    %mul3A_66 = arith.constant 32 : i32
    %mul3A_67 = arith.muli %arg1, %mul3A_66 : i32
    "tpu.region"() ({
      %run_scoped3A_68 = tpu.sem_alloc : memref<!tpu.dma_semaphore, #tpu.memory_space<semaphore_mem>>
      %dma_start3A_69 = arith.constant 0 : i32
      %dma_start3A_70 = tpu.memref_slice %arg7[%arg0, %mul3A_67, %dma_start3A_69] : memref<2x512x128xf32, #tpu.memory_space<hbm>> -> memref<1x32x128xf32, #tpu.memory_space<hbm>>
      %dma_start3A_71 = tpu.memref_squeeze %dma_start3A_70 : memref<1x32x128xf32, #tpu.memory_space<hbm>> -> memref<32x128xf32, #tpu.memory_space<hbm>>
      %dma_start3A_72 = arith.constant 0 : i32
      %dma_start3A_73 = tpu.memref_slice %arg9[%mul3A_67, %dma_start3A_72] : memref<512x128xf32, #tpu.memory_space<vmem_shared>> -> memref<32x128xf32, #tpu.memory_space<vmem_shared>>
      tpu.enqueue_dma source(%dma_start3A_73 : memref<32x128xf32, #tpu.memory_space<vmem_shared>>) target(%dma_start3A_71 : memref<32x128xf32, #tpu.memory_space<hbm>>) target_semaphore(%run_scoped3A_68 : memref<!tpu.dma_semaphore, #tpu.memory_space<semaphore_mem>>)
      %dma_wait3A_74 = arith.constant 0 : i32
      %dma_wait3A_75 = tpu.memref_slice %arg7[%arg0, %mul3A_67, %dma_wait3A_74] : memref<2x512x128xf32, #tpu.memory_space<hbm>> -> memref<1x32x128xf32, #tpu.memory_space<hbm>>
      %dma_wait3A_76 = tpu.memref_squeeze %dma_wait3A_75 : memref<1x32x128xf32, #tpu.memory_space<hbm>> -> memref<32x128xf32, #tpu.memory_space<hbm>>
      %dma_wait3A_77 = arith.constant 0 : i32
      %dma_wait3A_78 = tpu.memref_slice %arg9[%mul3A_67, %dma_wait3A_77] : memref<512x128xf32, #tpu.memory_space<vmem_shared>> -> memref<32x128xf32, #tpu.memory_space<vmem_shared>>
      tpu.wait_dma2 semaphore(%run_scoped3A_68 : memref<!tpu.dma_semaphore, #tpu.memory_space<semaphore_mem>>) src(%dma_wait3A_78 : memref<32x128xf32, #tpu.memory_space<vmem_shared>>) dst(%dma_wait3A_76 : memref<32x128xf32, #tpu.memory_space<hbm>>)
      tpu.yield
    }) : () -> ()
    "tpu.region"() ({
      %run_scoped3A_68 = tpu.sem_alloc : memref<!tpu.dma_semaphore, #tpu.memory_space<semaphore_mem>>
      %dma_start3A_69 = arith.constant 0 : i32
      %dma_start3A_70 = tpu.memref_slice %arg8[%arg0, %arg1, %dma_start3A_69] : memref<2x16x512xf32, #tpu.memory_space<hbm>> -> memref<1x1x512xf32, #tpu.memory_space<hbm>>
      %dma_start3A_71 = tpu.memref_squeeze %dma_start3A_70 : memref<1x1x512xf32, #tpu.memory_space<hbm>> -> memref<512xf32, #tpu.memory_space<hbm>>
      %dma_start3A_72 = arith.constant 0 : i32
      %dma_start3A_73 = tpu.memref_slice %arg8[%arg0, %arg1, %dma_start3A_72] : memref<2x16x512xf32, #tpu.memory_space<hbm>> -> memref<1x1x512xf32, #tpu.memory_space<hbm>>
      %dma_start3A_74 = tpu.memref_squeeze %dma_start3A_73 : memref<1x1x512xf32, #tpu.memory_space<hbm>> -> memref<512xf32, #tpu.memory_space<hbm>>
      tpu.enqueue_dma source(%arg13 : memref<512xf32, #tpu.memory_space<vmem>>) target(%dma_start3A_74 : memref<512xf32, #tpu.memory_space<hbm>>) target_semaphore(%run_scoped3A_68 : memref<!tpu.dma_semaphore, #tpu.memory_space<semaphore_mem>>)
      %dma_wait3A_75 = arith.constant 0 : i32
      %dma_wait3A_76 = tpu.memref_slice %arg8[%arg0, %arg1, %dma_wait3A_75] : memref<2x16x512xf32, #tpu.memory_space<hbm>> -> memref<1x1x512xf32, #tpu.memory_space<hbm>>
      %dma_wait3A_77 = tpu.memref_squeeze %dma_wait3A_76 : memref<1x1x512xf32, #tpu.memory_space<hbm>> -> memref<512xf32, #tpu.memory_space<hbm>>
      %dma_wait3A_78 = arith.constant 0 : i32
      %dma_wait3A_79 = tpu.memref_slice %arg8[%arg0, %arg1, %dma_wait3A_78] : memref<2x16x512xf32, #tpu.memory_space<hbm>> -> memref<1x1x512xf32, #tpu.memory_space<hbm>>
      %dma_wait3A_80 = tpu.memref_squeeze %dma_wait3A_79 : memref<1x1x512xf32, #tpu.memory_space<hbm>> -> memref<512xf32, #tpu.memory_space<hbm>>
      tpu.wait_dma2 semaphore(%run_scoped3A_68 : memref<!tpu.dma_semaphore, #tpu.memory_space<semaphore_mem>>) src(%arg13 : memref<512xf32, #tpu.memory_space<vmem>>) dst(%dma_wait3A_80 : memref<512xf32, #tpu.memory_space<hbm>>)
      tpu.yield
    }) : () -> ()
    return
  }
}

</mosaic_0001>

<sc_bundles>
// kernel: _sc_pool.3.cloned.1.call-start
scs
__scs_entry_jumppad:
0x0: {  	(pc) =	sbr.rel $0x88, $3  }
0x1: {  	(tag) =	ssettag $0x0;
	lr =	simm.s32 $0x1  }
0x2: {  	[smem:$0x3F9C] =	sst lr;
	_ =	strace $0xD0000000  }
0x3: {  	_ = 	snop  }
0x4: {  	_ = 	snop  }
0x5: {  	_ = 	snop  }
0x6: {  	_ = 	snop  }
0x7: {  	_ = 	snop  }
__scs_overlays_trampoline_lowered:
0x8: {  	[smem:$0x3FAB] =	sst s0  }
0x9: {  	[smem:$0x3FAC] =	sst s1  }
0xa: {  	[smem:$0x3FAD] =	sst s2  }
0xb: {  	[smem:$0x3FAE] =	sst s3  }
0xc: {  	[smem:$0x3FAF] =	sst s4  }
0xd: {  	[smem:$0x3FB0] =	sst s5  }
0xe: {  	[smem:$0x3FB1] =	sst s6  }
0xf: {  	[smem:$0x3FB2] =	sst s7  }
0x10: {  	[smem:$0x3FB3] =	sst s8  }
0x11: {  	[smem:$0x3FB4] =	sst s9;
	s0 =	simm.s32 @!p0 $0x0  }
0x12: {  	s1 =	sld [smem:$0x3F9A];
	s0 =	simm.s32 @p0 $0x1  }
0x13: {  	[smem:$0x3FB5] =	sst s0;
	s0 =	simm.s32 @!p1 $0x0  }
0x14: {  	s2 =	sld [smem:$0x3F99];
	s0 =	simm.s32 @p1 $0x1  }
0x15: {  	[smem:$0x3FB6] =	sst s0;
	s0 =	simm.s32 @!p2 $0x0  }
0x16: {  	s3 =	sld [smem:$0x3FDB];
	s0 =	simm.s32 @p2 $0x1  }
0x17: {  	s4 =	simm.s32 $0x1BF5;
	[smem:$0x3FB8] =	sst s0  }
0x18: {  	s0 =	sld [smem:$0x3F9B];
	_ =	swait.ge [sflag:s4], $0x0  }
0x19: {  	s7 =	sld [smem:$0x3F9C]  }
0x1a: {  	s8 =	sadd.s32 $0xFFFFE003, lr  }
0x1b: {  	s9 =	sadd.s32 $0xFFFFFEF7, lr;
	s5 =	simm.s32 $0xFFFFFFFF;
	p2 =	slt.u32 s8, $0xFFFFF086  }
0x1c: {  	p1 =	slt.u32 s9, $0xF7A;
	s5 =	simm.s32 @!p2 $0x0  }
0x1d: {  	s5 =	simm.s32 @p1 $0x1;
	p0 =	seq.s32 s7, s2  }
0x1e: {  	s7 =	smul.u32 @!p0 $0xF7A, s2;
	p2 =	seq.s32 @!p0 s5, $0x0  }
0x1f: {  	s9 =	smul.u32 $0xF7A, s1;
	s8 =	simm.s32 @!p0 $0x1BF5;
	p2 =	por !p2, p0  }
0x20: {  	[sflag:s8] =	ssyncset.s32 @!p0 $0xFFFFF086;
	s6 =	sadd.s32 @!p0 s3, s7;
	s7 =	simm.s32 @!p0 $0x108  }
0x21: {  	s3 =	sadd.s32 s3, s9;
	s6 =	sadd.s32 @!p0 $0x88, s6;
	s7 =	simm.s32 @p2 $0x1082  }
0x22: {  	[simem:s7], [sflag:s8] =	dma.local @!p0 [hbm:s6], $0xF7A  }
0x23: {  	s9 =	sor.u32 $0xD0000000, s2;
	s6 =	simm.s32 $0x108;
	_ =	swait.ge @!p0 [sflag:s8], $0x0  }
0x24: {  	s3 =	sadd.s32 $0x88, s3;
	s6 =	simm.s32 @!p1 $0x1082;
	[sflag:s4] =	ssyncset.s32 $0xFFFFF086  }
0x25: {  	[simem:s6], [sflag:s4] =	dma.local [hbm:s3], $0xF7A  }
0x26: {  	[smem:$0x3F9C] =	sst s1;
	(tag) =	ssettag s2;
	_ =	strace s9  }
0x27: {  	s1 =	sld [smem:$0x3FAC]  }
0x28: {  	s2 =	sld [smem:$0x3FAD]  }
0x29: {  	s4 =	sld [smem:$0x3FAF]  }
0x2a: {  	p0 =	seq.s32 s5, $0x0;
	s5 =	sld [smem:$0x3FB0]  }
0x2b: {  	s6 =	sld [smem:$0x3FB1]  }
0x2c: {  	s7 =	sld [smem:$0x3FB2]  }
0x2d: {  	s3 =	simm.s32 $0x108;
	s8 =	sld [smem:$0x3FB3]  }
0x2e: {  	s3 =	simm.s32 @!p0 $0x1082;
	s9 =	sld [smem:$0x3FB4]  }
0x2f: {  	lr =	sadd.s32 s0, s3;
	s0 =	sld [smem:$0x3FAB]  }
0x30: {  	s3 =	sld [smem:$0x3FAE]  }
0x31: {  	[smem:$0x3FB7] =	sst s10  }
0x32: {  	s10 =	sld [smem:$0x3FB5];
	_ =	sdelay $0x3  }
0x33: {  	p0 =	seq.s32 s10, $0x1;
	s10 =	sld [smem:$0x3FB7];
	_ =	sdelay $0x3  }
0x34: {  	[smem:$0x3FB7] =	sst s10  }
0x35: {  	s10 =	sld [smem:$0x3FB6];
	_ =	sdelay $0x3  }
0x36: {  	p1 =	seq.s32 s10, $0x1;
	s10 =	sld [smem:$0x3FB7];
	_ =	sdelay $0x3  }
0x37: {  	[smem:$0x3FB7] =	sst s10  }
0x38: {  	s10 =	sld [smem:$0x3FB8]  }
0x39: {  	_ = 	snop;
	(pc) =	sbr.ind lr, $3  }
0x3a: {  	_ = 	snop  }
0x3b: {  	_ = 	snop  }
0x3c: {  	p2 =	seq.s32 s10, $0x1;
	s10 =	sld [smem:$0x3FB7]  }
0x3d: {  	_ =	shalt  }
0x3e: {  	_ =	shalt  }
0x3f: {  	_ =	shalt  }
0x40: {  	_ =	shalt  }
0x41: {  	_ =	shalt  }
0x42: {  	_ =	shalt  }
0x43: {  	_ =	shalt  }
0x44: {  	_ =	shalt  }
0x45: {  	_ =	shalt  }
0x46: {  	_ =	shalt  }
0x47: {  	_ =	shalt  }
0x48: {  	_ =	shalt  }
0x49: {  	_ =	shalt  }
0x4a: {  	_ =	shalt  }
0x4b: {  	_ =	shalt  }
0x4c: {  	_ =	shalt  }
0x4d: {  	_ =	shalt  }
0x4e: {  	_ =	shalt  }
0x4f: {  	_ =	shalt  }
0x50: {  	_ =	shalt  }
0x51: {  	_ =	shalt  }
0x52: {  	_ =	shalt  }
0x53: {  	_ =	shalt  }
0x54: {  	_ =	shalt  }
0x55: {  	_ =	shalt  }
0x56: {  	_ =	shalt  }
0x57: {  	_ =	shalt  }
0x58: {  	_ =	shalt  }
0x59: {  	_ =	shalt  }
0x5a: {  	_ =	shalt  }
0x5b: {  	_ =	shalt  }
0x5c: {  	_ =	shalt  }
0x5d: {  	_ =	shalt  }
0x5e: {  	_ =	shalt  }
0x5f: {  	_ =	shalt  }
0x60: {  	_ =	shalt  }
0x61: {  	_ =	shalt  }
0x62: {  	_ =	shalt  }
0x63: {  	_ =	shalt  }
0x64: {  	_ =	shalt  }
0x65: {  	_ =	shalt  }
0x66: {  	_ =	shalt  }
0x67: {  	_ =	shalt  }
0x68: {  	_ =	shalt  }
0x69: {  	_ =	shalt  }
0x6a: {  	_ =	shalt  }
0x6b: {  	_ =	shalt  }
0x6c: {  	_ =	shalt  }
0x6d: {  	_ =	shalt  }
0x6e: {  	_ =	shalt  }
0x6f: {  	_ =	shalt  }
0x70: {  	_ =	shalt  }
0x71: {  	_ =	shalt  }
0x72: {  	_ =	shalt  }
0x73: {  	_ =	shalt  }
0x74: {  	_ =	shalt  }
0x75: {  	_ =	shalt  }
0x76: {  	_ =	shalt  }
0x77: {  	_ =	shalt  }
0x78: {  	_ =	shalt  }
0x79: {  	_ =	shalt  }
0x7a: {  	_ =	shalt  }
0x7b: {  	_ =	shalt  }
0x7c: {  	_ =	shalt  }
0x7d: {  	_ =	shalt  }
0x7e: {  	_ =	shalt  }
0x7f: {  	_ =	shalt  }
0x80: {  	_ =	shalt  }
0x81: {  	_ =	shalt  }
0x82: {  	_ =	shalt  }
0x83: {  	_ =	shalt  }
0x84: {  	_ =	shalt  }
0x85: {  	_ =	shalt  }
0x86: {  	_ =	shalt  }
0x87: {  	_ =	shalt  }
.Lfunc_end0:
.L_simem_size_0:
called_computation_lowered:
.L_overlay_start_0:
0x88: {  	s2 =	sld [smem:$0x3FD9]  }
0x89: {  	s3 =	sld [smem:$0x3FFE];
	_ =	sdelay $0x1  }
0x8a: {  	s1 =	srdreg.scid  }
0x8b: {  	s0 =	sand.u32 $0x1, s1  }
0x8c: {  	s14 =	sshll.u32 s0, $0xA;
	s2 =	sadd.s32 s3, s2  }
0x8d: {  	s2 =	sadd.s32 s2, s14  }
0x8e: {  	[smem:$0x3FC3] =	sst s2  }
0x8f: {  	_ = 	snop  }
0x90: {  	s2 =	sld [smem:$0x3FC9]  }
0x91: {  	s15 =	sld [smem:$0x3FD0]  }
0x92: {  	s4 =	sld [smem:$0x3FC8]  }
0x93: {  	s5 =	sld [smem:$0x3FC6]  }
0x94: {  	s7 =	simm.s32 $0xA;
	s8 =	simm.s32 $0x10;
	s6 =	sld [smem:$0x3FC5]  }
0x95: {  	[smem:s8], [sflag:s7] =	dma.local [hbm:s15], $0x1  }
0x96: {  	_ =	swait.eq [sflag:s7], $0x1  }
0x97: {  	[sflag:s7] =	ssyncset.done $0x0  }
0x98: {  	s16 =	sld [smem:$0x10];
	[sflag:s7] =	ssyncadd.s32 $0xFFFFFFFF  }
0x99: {  	s17 =	sld [smem:$0x11];
	(tm) =	ssettm $0x1  }
0x9a: {  	s18 =	sld [smem:$0x3FFB];
	_ =	sdelay $0x3  }
0x9b: {  	_ =	strace s18  }
0x9c: {  	s8 =	sld [smem:$0x3FFC];
	_ =	sdelay $0x3  }
0x9d: {  	_ =	strace s8  }
0x9e: {  	s8 =	sld [smem:$0x3FFD];
	_ =	sdelay $0x3  }
0x9f: {  	_ =	strace s8  }
0xa0: {  	_ =	strace $0x8FFFFFFF  }
0xa1: {  	s19 =	sld [smem:$0x3FDB];
	_ =	sdelay $0x1  }
0xa2: {  	s9 =	simm.s32 $_scs_section_size  }
0xa3: {  	s10 =	simm.s32 $_size__tile_overlayer_lowered;
	s11 =	simm.s32 $_tile_overlayer_lowered  }
0xa4: {  	s22 =	simm.s32 $0x1BFF;
	s21 =	sshll.u32 s11, $0x1;
	s8 =	sadd.s32 s9, s19  }
0xa5: {  	s12 =	simm.s32 $0x0;
	s20 =	sshll.u32 s10, $0x1;
	s10 =	sadd.s32 s21, s8  }
0xa6: {  	[timem:s12], [sflag:s22] =	dma.local [hbm:s10], s20  }
0xa7: {  	_ =	swait.ge [sflag:s22], s20  }
0xa8: {  	s9 =	ssub.s32 $0x0, s20;
	[sflag:s22] =	ssyncset.done $0x0  }
0xa9: {  	[sflag:s22] =	ssyncadd.s32 s9;
	_ =	sdelay $0x1  }
0xaa: {  	s23 =	simm.s32 $0x1B8B  }
0xab: {  	_ =	swait.ge [sflag:s23], $0x1  }
0xac: {  	[sflag:s23] =	ssyncset.done $0x0  }
0xad: {  	s25 =	simm.s32 $0x1B8E;
	s24 =	sld [smem:$0x3FFE];
	[sflag:s23] =	ssyncadd.s32 $0xFFFFFFFF  }
0xae: {  	s26 =	simm.s32 $execute0_lowered;
	[smem:$0x3FD2] =	sst s25  }
0xaf: {  	s10 =	sshll.u32 s26, $0x1;
	_ =	strace $0x80000046;
	[dreg:$0x1] =	wrdreg $0xFFFFFFFF  }
0xb0: {  	s28 =	simm.s32 $_size_execute0_lowered;
	s8 =	sadd.s32 s8, s10;
	[dreg:$0x0] =	wrdreg $0x0  }
0xb1: {  	s10 =	sshll.u32 s28, $0x1;
	[dreg:$0x2] =	wrdreg s8  }
0xb2: {  	[dreg:$0x3] =	wrdreg s10  }
0xb3: {  	[dreg:$0x4] =	wrdreg $0xC0  }
0xb4: {  	_ =	task [dreg:s12], $0x5FFFF  }
0xb5: {  	[dreg:$0x1] =	wrdreg $0xFFFFFFFF  }
0xb6: {  	[dreg:$0x0] =	wrdreg $0x60  }
0xb7: {  	[dreg:$0x2] =	wrdreg s2  }
0xb8: {  	[dreg:$0x3] =	wrdreg s4  }
0xb9: {  	[dreg:$0x4] =	wrdreg s24  }
0xba: {  	[dreg:$0x5] =	wrdreg s5  }
0xbb: {  	[dreg:$0x6] =	wrdreg s6  }
0xbc: {  	[dreg:$0x7] =	wrdreg s16  }
0xbd: {  	[dreg:$0x8] =	wrdreg s17  }
0xbe: {  	[dreg:$0x9] =	wrdreg $0x0  }
0xbf: {  	[dreg:$0xa] =	wrdreg $0x9  }
0xc0: {  	_ =	task.clear_ibuf [dreg:s12], $0xBFFFF;
	_ =	strace $0x90000046  }
0xc1: {  	s29 =	simm.s32 $0x9;
	_ =	strace $0x80000048  }
0xc2: {  	_ =	swait.ge [sflag:s29], $0x1  }
0xc3: {  	[sflag:s29] =	ssyncadd.s32 $0xFFFFFFFF  }
0xc4: {  	_ =	strace $0x90000048  }
0xc5: {  	_ =	sfence  }
0xc6: {  	s30 =	sld [smem:$0x0];
	_ =	sdelay $0x2  }
0xc7: {  	s31 =	sshll.u32 s1, $0xD;
	s1 =	sshrl.u32 s1, $0x2  }
0xc8: {  	s3 =	sand.u32 $0x4000, s31;
	s1 =	sadd.s32 s1, s30  }
0xc9: {  	s0 =	sor.u32 s3, s0;
	s1 =	sshll.u32 s1, $0x11  }
0xca: {  	s0 =	sor.u32 s1, s0  }
0xcb: {  	s0 =	sadd.s32 $0x8F2B, s0  }
0xcc: {  	[sflag:s0] =	ssyncadd.remote.s32 $0x1  }
0xcd: {  	_ =	sfence.sel $0xFFFF  }
0xce: {  	[dreg:$0x0] =	wrdreg $0xFFFFFFFF;
	(pc) =	sbr.abs _section_cstart, $3  }
0xcf: {  	[dreg:$0x1] =	wrdreg $0xFFFFFFFF  }
0xd0: {  	_ =	task.clear_ibuf [dreg:s12], $0x2FFFF;
	_ =	strace $0x9FFFFFFF  }
0xd1: {  	(tm) =	ssettm $0x7FFFFFFF  }
tec
execute0_lowered:
.L_overlay_start_1:
0x0: {  	(tag) =	ssettag $0x1  }
0x1: {  	s11 =	rddreg [dreg:$0x0]  }
0x2: {  	s9 =	rddreg [dreg:$0x1]  }
0x3: {  	s5 =	rddreg [dreg:$0x2]  }
0x4: {  	s6 =	rddreg [dreg:$0x3]  }
0x5: {  	s0 =	rddreg [dreg:$0x4]  }
0x6: {  	s12 =	rddreg [dreg:$0x5]  }
0x7: {  	s1 =	srdreg.scid;
	s13 =	rddreg [dreg:$0x6]  }
0x8: {  	s3 =	rddreg [dreg:$0x7];
	s2 =	stileid.u32;
	s4 =	simm.s32 $0x0  }
0x9: {  	s28 =	simm.s32 $0x400;
	s29 =	simm.s32 $0x0;
	s14 =	sand.u32 $0x1, s1  }
0xa: {  	[smem:$0x7FF] =	sst s4;
	s21 =	sshll.u32 s2, $0xC;
	s17 =	sshll.u32 s2, $0x9  }
0xb: {  	s22 =	sshll.u32 s2, $0x6;
	s23 =	sshll.u32 s2, $0x7;
	s24 =	smul.u32 $0x5B00, s2  }
0xc: {  	s7 =	sshll.u32 s14, $0x4;
	s8 =	ssub.s32 $0x2, s14;
	_ =	strace $0x80000047  }
0xd: {  	s19 =	sadd.s32 s21, s3;
	s21 =	smul.u32 $0x5B000, s14;
	s14 =	sshll.u32 s14, $0xD  }
0xe: {  	s12 =	sadd.s32 s12, s17;
	s15 =	sor.u32 s2, s7;
	s20 =	sshrl.u32 s8, $0x1  }
0xf: {  	s7 =	sshll.u32 s15, $0x8;
	s16 =	ssub.s32 s8, s20;
	s10 =	smul.u32 $0x5B00, s15  }
0x10: {  	s18 =	smul.u32 $0xD0, s15;
	s20 =	sand.u32 $0x1000, s17;
	s26 =	sadd.s32 s21, s11  }
0x11: {  	p0 =	sne.s32 s15, $0x1F;
	s15 =	sshrl.u32 s19, $0x3;
	s19 =	simm.s32 $0x8A00  }
0x12: {  	s21 =	simm.s32 $0x4800;
	s7 =	sadd.s32 s7, s5;
	s5 =	sadd.s32 s6, s17  }
0x13: {  	s6 =	sor.u32 $0x1C03, s22;
	s31 =	sadd.s32 s24, s26;
	s17 =	simm.s32 $0x8800  }
0x14: {  	s22 =	simm.s32 $0x1;
	s24 =	simm.s32 $0x2;
	s26 =	simm.s32 $0x80  }
0x15: {  	s7 =	sadd.s32 $0x600, s7;
	s8 =	sadd.s32 s9, s18;
	s10 =	sadd.s32 s11, s10  }
0x16: {  	s9 =	sadd.s32 $0x1A00, s9;
	s18 =	sand.u32 $0x380, s23;
	s11 =	sadd.s32 s14, s12  }
0x17: {  	s23 =	simm.s32 $0x70;
	s10 =	sadd.s32 $0xD0A00, s10;
	s18 =	sor.u32 s18, s20  }
0x18: {  	s20 =	simm.s32 $0x1000;
	s25 =	sor.u32 s14, s18;
	s14 =	sadd.s32 $0xD1800, s31  }
0x19: {  	s18 =	simm.s32 $0x8000;
	s30 =	sshrl.u32 s25, $0x3;
	s25 =	simm.s32 $0x8600  }
0x1a: {  	v0 =	vimm.f32 $1.000000000e+00;
	s12 =	sadd.s32 s13, s30;
	s13 =	smax.u32 s16, $0x1;
	s16 =	simm.s32 $0x3  }
.LBB2_1:
0x1b: {  	[spmem:s15], [sflag:s6] =	dma.local [hbm:s5], $0x200  }
0x1c: {  	_ =	swait.ge [sflag:s16], $0x200  }
0x1d: {  	[sflag:s16] =	ssyncset.done $0x0  }
0x1e: {  	[sflag:s16] =	ssyncadd.s32 $0xFFFFFE00  }
0x1f: {  	[tilespmem:s17], [sflag:$0x3] =	stream.linear.gather [hbm4b:s0+s4], $0x200, $0x38;
	[tilespmem:$0x9180] =	vst v63  }
0x20: {  	_ =	swait.ge [sflag:s16], $0x200  }
0x21: {  	[sflag:s16] =	ssyncset.done $0x0  }
0x22: {  	[sflag:s16] =	ssyncadd.s32 $0xFFFFFE00  }
0x23: {  	[tilespmem:s18], [sflag:$0x3] =	stream.linear.gather [hbm4b:s7+s4], $0x680, $0x38;
	[tilespmem:$0x9180] =	vst v63  }
0x24: {  	_ =	swait.ge [sflag:s16], $0x680  }
0x25: {  	[sflag:s16] =	ssyncset.done $0x0  }
0x26: {  	[sflag:s16] =	ssyncadd.s32 $0xFFFFF980  }
0x27: {  	[tilespmem:s19], [sflag:$0x3] =	stream.linear.gather [hbm4b:s8+s4], $0x680, $0x38;
	[tilespmem:$0x9180] =	vst v63  }
0x28: {  	_ =	swait.ge [sflag:s16], $0x680  }
0x29: {  	[sflag:s16] =	ssyncset.done $0x0  }
0x2a: {  	s30 =	simm.s32 @!p0 $0x0;
	s31 =	simm.s32 @!p0 $0x9080;
	[sflag:s16] =	ssyncadd.s32 $0xFFFFF980  }
0x2b: {  	[tilespmem:s31], [sflag:$0x3] =	stream.linear.gather @!p0 [hbm4b:s9+s30], $0xA0, $0x38;
	[tilespmem:$0x9180] =	vst v63  }
0x2c: {  	s30 =	simm.s32 @!p0 $0x3  }
0x2d: {  	_ =	swait.ge @!p0 [sflag:s30], $0xA0  }
0x2e: {  	[sflag:s30] =	ssyncset.done @!p0 $0x0  }
0x2f: {  	[sflag:s30] =	ssyncadd.s32 @!p0 $0xFFFFFF60  }
0x30: {  	s31 =	simm.s32 $0x0;
	s30 =	smov.u32 s14;
	[bflag:$0x0] =	sbarrier.arrive $0xFFFF  }
0x31: {  	[tilespmem:s20], [sflag:$0x1] =	stream.linear.gather [hbm4b:s10+s4], $0x3800, $0x38;
	[tilespmem:$0x9180] =	vst v63  }
.LBB2_2:
0x32: {  	s1 =	sadd.s32 $0xFFFFF900, s30  }
0x33: {  	[tilespmem:s21], [sflag:$0x2] =	stream.linear.gather [hbm4b:s1+s4], $0x3800, $0x38;
	[tilespmem:$0x9180] =	vst v63  }
0x34: {  	_ =	swait.ge [sflag:s22], $0x3800  }
0x35: {  	s1 =	sshra.s32 s31, $0x2;
	[sflag:s22] =	ssyncset.done $0x0  }
0x36: {  	s2 =	sadd.s32 $0x8000, s1;
	[sflag:s22] =	ssyncadd.s32 $0xFFFFC800  }
0x37: {  	[spmem:s3] =	stream.indirect.scatter.add.f32 [tilespmem:s20], [sflag:$0x3], $0x80, s2, s23, $0xb8;
	[tilespmem:$0x9180] =	vst v63  }
0x38: {  	_ =	swait.ge [sflag:s16], $0x3800  }
0x39: {  	[sflag:s16] =	ssyncset.done $0x0  }
0x3a: {  	[sflag:s16] =	ssyncadd.s32 $0xFFFFC800  }
0x3b: {  	v1 =	vld [tilespmem:s1+$0x8000];
	_ =	sdelay $0x7  }
0x3c: {  	[tilespmem:v1+s17+$0x0] =	vst.idx.add.f32.msk $0xffff, v0  }
0x3d: {  	v1 =	vld [tilespmem:s1+$0x8010];
	_ =	sdelay $0x7  }
0x3e: {  	[tilespmem:v1+s17+$0x0] =	vst.idx.add.f32.msk $0xffff, v0  }
0x3f: {  	v1 =	vld [tilespmem:s1+$0x8020];
	_ =	sdelay $0x7  }
0x40: {  	[tilespmem:v1+s17+$0x0] =	vst.idx.add.f32.msk $0xffff, v0  }
0x41: {  	v1 =	vld [tilespmem:s1+$0x8030];
	_ =	sdelay $0x7  }
0x42: {  	[tilespmem:v1+s17+$0x0] =	vst.idx.add.f32.msk $0xffff, v0  }
0x43: {  	v1 =	vld [tilespmem:s1+$0x8040];
	_ =	sdelay $0x7  }
0x44: {  	[tilespmem:v1+s17+$0x0] =	vst.idx.add.f32.msk $0xffff, v0  }
0x45: {  	v1 =	vld [tilespmem:s1+$0x8050];
	_ =	sdelay $0x7  }
0x46: {  	[tilespmem:v1+s17+$0x0] =	vst.idx.add.f32.msk $0xffff, v0  }
0x47: {  	v1 =	vld [tilespmem:s1+$0x8060];
	_ =	sdelay $0x7  }
0x48: {  	[tilespmem:v1+s17+$0x0] =	vst.idx.add.f32.msk $0xffff, v0  }
0x49: {  	[tilespmem:s20], [sflag:$0x1] =	stream.linear.gather [hbm4b:s30+s4], $0x3800, $0x38;
	[tilespmem:$0x9180] =	vst v63  }
0x4a: {  	_ =	swait.ge [sflag:s24], $0x3800  }
0x4b: {  	[sflag:s24] =	ssyncset.done $0x0  }
0x4c: {  	s2 =	sadd.s32 $0x8080, s1;
	[sflag:s24] =	ssyncadd.s32 $0xFFFFC800  }
0x4d: {  	[spmem:s3] =	stream.indirect.scatter.add.f32 [tilespmem:s21], [sflag:$0x3], $0x80, s2, s23, $0xb8;
	[tilespmem:$0x9180] =	vst v63  }
0x4e: {  	_ =	swait.ge [sflag:s16], $0x3800  }
0x4f: {  	[sflag:s16] =	ssyncset.done $0x0  }
0x50: {  	[sflag:s16] =	ssyncadd.s32 $0xFFFFC800  }
0x51: {  	v1 =	vld [tilespmem:s1+$0x8080];
	_ =	sdelay $0x7  }
0x52: {  	[tilespmem:v1+s17+$0x0] =	vst.idx.add.f32.msk $0xffff, v0  }
0x53: {  	v1 =	vld [tilespmem:s1+$0x8090];
	_ =	sdelay $0x7  }
0x54: {  	[tilespmem:v1+s17+$0x0] =	vst.idx.add.f32.msk $0xffff, v0  }
0x55: {  	v1 =	vld [tilespmem:s1+$0x80A0];
	_ =	sdelay $0x7  }
0x56: {  	[tilespmem:v1+s17+$0x0] =	vst.idx.add.f32.msk $0xffff, v0  }
0x57: {  	v1 =	vld [tilespmem:s1+$0x80B0];
	_ =	sdelay $0x7  }
0x58: {  	[tilespmem:v1+s17+$0x0] =	vst.idx.add.f32.msk $0xffff, v0  }
0x59: {  	v1 =	vld [tilespmem:s1+$0x80C0];
	_ =	sdelay $0x7  }
0x5a: {  	[tilespmem:v1+s17+$0x0] =	vst.idx.add.f32.msk $0xffff, v0  }
0x5b: {  	v1 =	vld [tilespmem:s1+$0x80D0];
	_ =	sdelay $0x7  }
0x5c: {  	[tilespmem:v1+s17+$0x0] =	vst.idx.add.f32.msk $0xffff, v0  }
0x5d: {  	v1 =	vld [tilespmem:s1+$0x80E0];
	_ =	sdelay $0x2  }
0x5e: {  	p1 =	sne.s32 s31, $0x1400  }
.Ltmp0:
0x5f: {  	_ = 	snop;
	(pc) =	sbr.rel @p1 .LBB2_2-.Ltmp0, $2  }
0x60: {  	_ =	sdelay $0x2  }
0x61: {  	s31 =	sadd.s32 $0x400, s31;
	s30 =	sadd.s32 $0xE00, s30;
	[tilespmem:v1+s17+$0x0] =	vst.idx.add.f32.msk $0xffff, v0  }
0x62: {  	_ =	swait.ge [sflag:s22], $0x3800  }
0x63: {  	[sflag:s22] =	ssyncset.done $0x0  }
0x64: {  	[sflag:s22] =	ssyncadd.s32 $0xFFFFC800  }
0x65: {  	[spmem:s3] =	stream.indirect.scatter.add.f32 [tilespmem:s20], [sflag:$0x3], $0x80, s25, s23, $0xb8;
	[tilespmem:$0x9180] =	vst v63  }
0x66: {  	_ =	swait.ge [sflag:s16], $0x3800  }
0x67: {  	[sflag:s16] =	ssyncset.done $0x0  }
0x68: {  	[sflag:s16] =	ssyncadd.s32 $0xFFFFC800  }
0x69: {  	v1 =	vld [tilespmem:$0x8600];
	_ =	sdelay $0x7  }
0x6a: {  	[tilespmem:v1+s17+$0x0] =	vst.idx.add.f32.msk $0xffff, v0  }
0x6b: {  	v1 =	vld [tilespmem:$0x8610];
	_ =	sdelay $0x7  }
0x6c: {  	[tilespmem:v1+s17+$0x0] =	vst.idx.add.f32.msk $0xffff, v0  }
0x6d: {  	v1 =	vld [tilespmem:$0x8620];
	_ =	sdelay $0x7  }
0x6e: {  	[tilespmem:v1+s17+$0x0] =	vst.idx.add.f32.msk $0xffff, v0  }
0x6f: {  	v1 =	vld [tilespmem:$0x8630];
	_ =	sdelay $0x7  }
0x70: {  	[tilespmem:v1+s17+$0x0] =	vst.idx.add.f32.msk $0xffff, v0  }
0x71: {  	v1 =	vld [tilespmem:$0x8640];
	_ =	sdelay $0x7  }
0x72: {  	[tilespmem:v1+s17+$0x0] =	vst.idx.add.f32.msk $0xffff, v0  }
0x73: {  	v1 =	vld [tilespmem:$0x8650];
	_ =	sdelay $0x7  }
0x74: {  	[tilespmem:v1+s17+$0x0] =	vst.idx.add.f32.msk $0xffff, v0  }
0x75: {  	v1 =	vld [tilespmem:$0x8660];
	_ =	sdelay $0x7  }
0x76: {  	s31 =	simm.s32 $0x0;
	s30 =	simm.s32 $0x40;
	[tilespmem:v1+s17+$0x0] =	vst.idx.add.f32.msk $0xffff, v0  }
.LBB2_4:
0x77: {  	p1 =	sne.s32 s30, $0x19C0;
	v1 =	vld [tilespmem:s31+$0x8A00];
	_ =	sdelay $0x3  }
.Ltmp1:
0x78: {  	(pc) =	sbr.rel @p1 .LBB2_4-.Ltmp1, $2  }
0x79: {  	_ =	sdelay $0x2  }
0x7a: {  	s31 =	sshra.s32 s30, $0x2;
	s30 =	sadd.s32 $0x40, s30;
	[tilespmem:v1+s17+$0x0] =	vst.idx.add.f32.msk $0xffff, v0  }
0x7b: {  	v1 =	vld [tilespmem:s31+$0x8A00];
	_ =	sdelay $0x7  }
0x7c: {  	[tilespmem:v1+s17+$0x0] =	vst.idx.add.f32.msk $0xffff, v0  }
0x7d: {  	v1 =	vld @!p0 [tilespmem:$0x9080];
	_ =	sdelay $0x6  }
0x7e: {  	v2 =	vimm.f32 @!p0 $1.000000000e+00;
	s1 =	simm.s32 @!p0 $0x8800  }
0x7f: {  	[tilespmem:v1+s1+$0x0] =	vst.idx.add.f32.msk @!p0 $0xffff, v2  }
0x80: {  	v1 =	vld @!p0 [tilespmem:$0x9090];
	_ =	sdelay $0x7  }
0x81: {  	[tilespmem:v1+s1+$0x0] =	vst.idx.add.f32.msk @!p0 $0xffff, v2  }
0x82: {  	v1 =	vld @!p0 [tilespmem:$0x90A0];
	_ =	sdelay $0x7  }
0x83: {  	[tilespmem:v1+s1+$0x0] =	vst.idx.add.f32.msk @!p0 $0xffff, v2  }
0x84: {  	v1 =	vld @!p0 [tilespmem:$0x90B0];
	_ =	sdelay $0x7  }
0x85: {  	[tilespmem:v1+s1+$0x0] =	vst.idx.add.f32.msk @!p0 $0xffff, v2  }
0x86: {  	v1 =	vld @!p0 [tilespmem:$0x90C0];
	_ =	sdelay $0x7  }
0x87: {  	[tilespmem:v1+s1+$0x0] =	vst.idx.add.f32.msk @!p0 $0xffff, v2  }
0x88: {  	v1 =	vld @!p0 [tilespmem:$0x90D0];
	_ =	sdelay $0x7  }
0x89: {  	[tilespmem:v1+s1+$0x0] =	vst.idx.add.f32.msk @!p0 $0xffff, v2  }
0x8a: {  	v1 =	vld @!p0 [tilespmem:$0x90E0];
	_ =	sdelay $0x7  }
0x8b: {  	[tilespmem:v1+s1+$0x0] =	vst.idx.add.f32.msk @!p0 $0xffff, v2  }
0x8c: {  	v1 =	vld @!p0 [tilespmem:$0x90F0];
	_ =	sdelay $0x7  }
0x8d: {  	[tilespmem:v1+s1+$0x0] =	vst.idx.add.f32.msk @!p0 $0xffff, v2  }
0x8e: {  	v1 =	vld @!p0 [tilespmem:$0x9100];
	_ =	sdelay $0x7  }
0x8f: {  	[tilespmem:v1+s1+$0x0] =	vst.idx.add.f32.msk @!p0 $0xffff, v2  }
0x90: {  	v1 =	vld @!p0 [tilespmem:$0x9110];
	_ =	sdelay $0x7  }
0x91: {  	[tilespmem:v1+s1+$0x0] =	vst.idx.add.f32.msk @!p0 $0xffff, v2  }
0x92: {  	[bflag:$0x0] =	sbarrier.arrive $0xFFFF  }
0x93: {  	[hbm:s11], [sflag:s6] =	dma.local [spmem:s15], $0x200  }
0x94: {  	s29 =	sadd.s32 $0x1, s29;
	_ =	swait.ge [sflag:s16], $0x200  }
0x95: {  	p1 =	sne.s32 s29, s13;
	[sflag:s16] =	ssyncset.done $0x0  }
.Ltmp2:
0x96: {  	[sflag:s16] =	ssyncadd.s32 $0xFFFFFE00;
	(pc) =	sbr.rel @p1 .LBB2_1-.Ltmp2, $4  }
0x97: {  	[hbm4b:s12+s26] =	stream.strided.scatter [tilespmem:s17], [sflag:$0x3], $0x200, s28, s26, $0x38;
	[tilespmem:$0x9180] =	vst v63  }
0x98: {  	_ =	swait.ge [sflag:s16], $0x200  }
0x99: {  	[sflag:s16] =	ssyncset.done $0x0  }
0x9a: {  	[sflag:s16] =	ssyncadd.s32 $0xFFFFFE00  }
0x9b: {  	_ =	sfence.sel $0x180000  }
0x9c: {  	[bflag:$0x0] =	sbarrier.arrive $0xFFFF  }
0x9d: {  	_ =	strace $0x90000047  }
0x9e: {  	s0 =	stileid.u32;
	[bflag:$0x2] =	sbarrier.arrive $0xFFFF  }
0x9f: {  	p0 =	sne.s32 s0, $0x0;
	s0 =	rddreg [dreg:$0x8]  }
0xa0: {  	s0 =	sadd.s32 @!p0 $0x100000, s0  }
0xa1: {  	[sflag:s0] =	ssyncadd.tile.s32 @!p0 $0x1;
	_ =	shalt  }
.Lfunc_end2:
_tile_overlayer_lowered:
.L_overlay_start_2:
0xa2: {  	(tag) =	ssettag $0x2  }
0xa3: {  	s0 =	rddreg [dreg:$0x0];
	s2 =	stileid.u32  }
0xa4: {  	s1 =	rddreg [dreg:$0x1];
	p0 =	sne.s32 s2, $0x0  }
0xa5: {  	s3 =	rddreg [dreg:$0x2];
	[bflag:$0x3] =	sbarrier.arrive $0xFFFF;
	s2 =	simm.s32 @!p0 $0x1C03  }
0xa6: {  	[timem:s3], [sflag:s2] =	dma.local @!p0 [hbm:s0], s1  }
0xa7: {  	s0 =	simm.s32 @!p0 $0x3  }
0xa8: {  	_ =	swait.ge @!p0 [sflag:s0], s1  }
0xa9: {  	s1 =	ssub.s32 @!p0 $0x0, s1;
	[sflag:s0] =	ssyncset.done @!p0 $0x0  }
0xaa: {  	[sflag:s0] =	ssyncadd.s32 @!p0 s1  }
0xab: {  	[bflag:$0x3] =	sbarrier.arrive $0xFFFF  }
0xac: {  	_ =	shalt  }

</sc_bundles>
